<compile_context>
chip_gen: v7x
topology: tpu7x:2x2x1
jax: 0.10.2.dev20260603
libtpu: 0.0.44.dev20260713+nightly
codegen_flags: <defaults>
</compile_context>

<pallas_src>
import functools

import jax
import jax.numpy as jnp
from jax.experimental import pallas as pl
from jax.experimental.pallas import tpu as pltpu
from jax.experimental.pallas import tpu_sc as plsc

_NS = 16
_L = 16


def _router_body(logits_hbm, gs_hbm, row_v, gs_v):
    wid = jax.lax.axis_index("s")
    tpw = 4
    base = wid * tpw
    pltpu.sync_copy(logits_hbm.at[pl.ds(base, tpw)], row_v)
    nch = 64 // _L
    for t in range(tpw):
        chunks = [row_v[t, pl.ds(j * _L, _L)] for j in range(nch)]
        m = chunks[0]
        for c in chunks[1:]:
            m = jnp.maximum(m, c)
        m = jnp.max(m)
        ps = [jnp.exp(c - m) for c in chunks]
        s = ps[0]
        for p in ps[1:]:
            s = s + p
        s = jnp.sum(s)
        inv = 1.0 / jnp.broadcast_to(s, (_L,))
        for j in range(nch):
            gs_v[t, pl.ds(j * _L, _L)] = ps[j] * inv
    pltpu.sync_copy(gs_v, gs_hbm.at[pl.ds(base, tpw)])


def _experts_body(x_ref, gw_ref,
                  w1_ref, b1_ref, w2_ref, b2_ref, w3_ref, b3_ref,
                  out_ref, aux_ref, logits_ref,
                  i1_ref, i2_ref, tw_ref):
    e = pl.program_id(0)
    n_e = pl.num_programs(0)

    @pl.when(e == 0)
    def _gate():
        logits = jnp.dot(x_ref[...], gw_ref[...],
                         preferred_element_type=jnp.float32)
        logits_ref[...] = logits
        m = jnp.max(logits, axis=-1, keepdims=True)
        p = jnp.exp(logits - m)
        s = jnp.sum(p, axis=-1, keepdims=True)
        gs = p / s
        ids = jax.lax.broadcasted_iota(jnp.int32, gs.shape, 1)
        v1 = jnp.max(gs, axis=-1, keepdims=True)
        i1 = jnp.min(jnp.where(gs == v1, ids, n_e), axis=-1, keepdims=True)
        gs_m = jnp.where(ids == i1, -jnp.inf, gs)
        v2 = jnp.max(gs_m, axis=-1, keepdims=True)
        i2 = jnp.min(jnp.where(gs_m == v2, ids, n_e), axis=-1, keepdims=True)
        i1_ref[...] = i1
        i2_ref[...] = i2
        tw_ref[...] = v1 + v2
        usage = jnp.mean(gs, axis=0)
        lbl = -jnp.sum(usage * jnp.log(usage + 1e-9))
        lse = m[:, 0] + jnp.log(s[:, 0])
        z = jnp.mean(lse * lse) * 0.001
        aux_ref[...] = (lbl + z).reshape(1, 1)
        out_ref[...] = jnp.zeros_like(out_ref)

    xx = x_ref[...]
    h1 = (jnp.dot(xx, w1_ref[0], preferred_element_type=jnp.float32)
          + b1_ref[pl.ds(e, 1), 0])
    h2 = (jnp.dot(xx, w2_ref[0], preferred_element_type=jnp.float32)
          + b2_ref[pl.ds(e, 1), 0])
    h = (h1 * jax.nn.sigmoid(h1)) * h2
    eo = (jnp.dot(h, w3_ref[0], preferred_element_type=jnp.float32)
          + b3_ref[pl.ds(e, 1), 0])
    w = jnp.where((i1_ref[...] == e) | (i2_ref[...] == e), tw_ref[...], 0.0)
    out_ref[...] += eo * w


def kernel(x, gate_w, W1, b1, W2, b2, W3, b3):
    B, S, D = x.shape
    E = gate_w.shape[1]
    H = W1.shape[2]
    T = B * S
    x2 = x.reshape(T, D)
    b1r = b1.reshape(E, 1, H)
    b2r = b2.reshape(E, 1, H)
    b3r = b3.reshape(E, 1, D)

    router = functools.partial(
        pl.kernel,
        mesh=plsc.VectorSubcoreMesh(core_axis_name="c", subcore_axis_name="s",
                                    num_cores=1),
        out_type=jax.ShapeDtypeStruct((T, E), jnp.float32),
        scratch_types=[pltpu.VMEM((4, E), jnp.float32),
                       pltpu.VMEM((4, E), jnp.float32)],
        compiler_params=pltpu.CompilerParams(needs_layout_passes=False),
    )(_router_body)

    out, aux, logits = pl.pallas_call(
        _experts_body,
        grid=(E,),
        in_specs=[
            pl.BlockSpec((T, D), lambda e: (0, 0)),
            pl.BlockSpec((D, E), lambda e: (0, 0)),
            pl.BlockSpec((1, D, H), lambda e: (e, 0, 0)),
            pl.BlockSpec((E, 1, H), lambda e: (0, 0, 0)),
            pl.BlockSpec((1, D, H), lambda e: (e, 0, 0)),
            pl.BlockSpec((E, 1, H), lambda e: (0, 0, 0)),
            pl.BlockSpec((1, H, D), lambda e: (e, 0, 0)),
            pl.BlockSpec((E, 1, D), lambda e: (0, 0, 0)),
        ],
        out_specs=[
            pl.BlockSpec((T, D), lambda e: (0, 0)),
            pl.BlockSpec((1, 1), lambda e: (0, 0)),
            pl.BlockSpec((T, E), lambda e: (0, 0)),
        ],
        out_shape=[
            jax.ShapeDtypeStruct((T, D), jnp.float32),
            jax.ShapeDtypeStruct((1, 1), jnp.float32),
            jax.ShapeDtypeStruct((T, E), jnp.float32),
        ],
        scratch_shapes=[
            pltpu.VMEM((T, 1), jnp.int32),
            pltpu.VMEM((T, 1), jnp.int32),
            pltpu.VMEM((T, 1), jnp.float32),
        ],
        compiler_params=pltpu.CompilerParams(
            dimension_semantics=("arbitrary",),
        ),
    )(x2, gate_w, W1, b1r, W2, b2r, W3, b3r)
    gs = router(logits)
    return out.reshape(B, S, D), aux[0, 0], gs.reshape(B, S, E)

# --- scband reference (transcript-rebuilt; emitter-appended) ---
"""Pipeline reference for scband-mo-elayer-2284922601834 (READ-ONLY COPY).

The authoritative reference and input builder live on the scoring server;
editing this copy changes nothing except your own understanding.
"""

import jax, jax.numpy as jnp
import numpy as np

E = 64
K = 2
D = 768
H = 1024
B = 64
S = 1


def setup_inputs(seed: int = 0) -> dict:
    key = jax.random.key(seed)
    ks = jax.random.split(key, 8)
    x = jax.random.normal(ks[0], (B, S, D), dtype=jnp.float32)
    gate_w = jax.random.normal(ks[1], (D, E), dtype=jnp.float32) * 0.02
    W1 = jax.random.normal(ks[2], (E, D, H), dtype=jnp.float32) * 0.02
    b1 = jnp.zeros((E, H), dtype=jnp.float32)
    W2 = jax.random.normal(ks[3], (E, D, H), dtype=jnp.float32) * 0.02
    b2 = jnp.zeros((E, H), dtype=jnp.float32)
    W3 = jax.random.normal(ks[4], (E, H, D), dtype=jnp.float32) * 0.02
    b3 = jnp.zeros((E, D), dtype=jnp.float32)
    return {"x": x, "gate_w": gate_w, "W1": W1, "b1": b1, "W2": W2, "b2": b2, "W3": W3, "b3": b3}


def reference(x, gate_w, W1, b1, W2, b2, W3, b3):
    b, s, d = x.shape
    gate_logits = x @ gate_w                      # [b, s, E]
    gate_scores = jax.nn.softmax(gate_logits, axis=-1)
    topk_scores, topk_indices = jax.lax.top_k(gate_scores, K)   # [b, s, K]
    expert_usage = gate_scores.mean(axis=(0, 1))                # [E]
    load_balance_loss = -(expert_usage * jnp.log(expert_usage + 1e-09)).sum()
    z_loss = jnp.mean(jnp.square(jax.scipy.special.logsumexp(gate_logits, axis=-1))) * 0.001
    aux_loss = load_balance_loss + z_loss
    # per-token combine weight: sum of ALL top-k scores (faithful to the torch code)
    tok_weight = topk_scores.sum(axis=-1)                       # [b, s]
    out = jnp.zeros_like(x)
    for e in range(E):
        mask = (topk_indices == e).any(axis=-1)                 # [b, s] bool
        h = jax.nn.silu(x @ W1[e] + b1[e]) * (x @ W2[e] + b2[e])
        expert_out = h @ W3[e] + b3[e]                          # [b, s, d]
        w = (tok_weight * mask.astype(x.dtype))[..., None]      # [b, s, 1]
        out = out + expert_out * w
    return (out, aux_loss, gate_scores)

if __name__ == "__main__":
    import jax
    _d = setup_inputs()
    print(jax.jit(kernel)(*tuple(_d.values())))

</pallas_src>

<mosaic_0001>
#map = affine_map<(d0, d1) -> (0, 0)>
module attributes {stable_mosaic.version = 14 : i64} {
  func.func @_router_body(%arg0: i32, %arg1: i32, %arg2: memref<64x64xf32, #tpu.memory_space<hbm>>, %arg3: memref<64x64xf32, #tpu.memory_space<hbm>>, %arg4: memref<4x64xf32, #tpu.memory_space<vmem>>, %arg5: memref<4x64xf32, #tpu.memory_space<vmem>>) attributes {dimension_semantics = [#tpu.dimension_semantics<core_parallel>, #tpu.dimension_semantics<subcore_parallel>], iteration_bounds = array<i64: 1, 16>, scalar_prefetch = 0 : i64, scratch_operands = 2 : i64, tpu.core_type = #tpu.core_type<sc_vector_subcore>, window_params = [{transform_indices = #map}, {transform_indices = #map}]} {
    %mul3A = arith.constant 4 : i32
    %mul3A_0 = arith.muli %arg1, %mul3A : i32
    "tpu.region"() ({
      %run_scoped3A = tpu.sem_alloc : memref<!tpu.dma_semaphore, #tpu.memory_space<semaphore_mem>>
      %dma_start3A = arith.constant 0 : i32
      %dma_start3A_255 = tpu.memref_slice %arg2[%mul3A_0, %dma_start3A] : memref<64x64xf32, #tpu.memory_space<hbm>> -> memref<4x64xf32, #tpu.memory_space<hbm>>
      %dma_start3A_256 = arith.constant 0 : i32
      %dma_start3A_257 = tpu.memref_slice %arg2[%mul3A_0, %dma_start3A_256] : memref<64x64xf32, #tpu.memory_space<hbm>> -> memref<4x64xf32, #tpu.memory_space<hbm>>
      tpu.enqueue_dma source(%dma_start3A_257 : memref<4x64xf32, #tpu.memory_space<hbm>>) target(%arg4 : memref<4x64xf32, #tpu.memory_space<vmem>>) target_semaphore(%run_scoped3A : memref<!tpu.dma_semaphore, #tpu.memory_space<semaphore_mem>>)
      %dma_wait3A = arith.constant 0 : i32
      %dma_wait3A_258 = tpu.memref_slice %arg2[%mul3A_0, %dma_wait3A] : memref<64x64xf32, #tpu.memory_space<hbm>> -> memref<4x64xf32, #tpu.memory_space<hbm>>
      %dma_wait3A_259 = arith.constant 0 : i32
      %dma_wait3A_260 = tpu.memref_slice %arg2[%mul3A_0, %dma_wait3A_259] : memref<64x64xf32, #tpu.memory_space<hbm>> -> memref<4x64xf32, #tpu.memory_space<hbm>>
      tpu.wait_dma2 semaphore(%run_scoped3A : memref<!tpu.dma_semaphore, #tpu.memory_space<semaphore_mem>>) src(%dma_wait3A_260 : memref<4x64xf32, #tpu.memory_space<hbm>>) dst(%arg4 : memref<4x64xf32, #tpu.memory_space<vmem>>)
      tpu.yield
    }) : () -> ()
    %get3A = arith.constant 0 : i32
    %get3A_1 = arith.index_cast %get3A : i32 to index
    %get3A_2 = arith.constant 0 : index
    %get3A_3 = tpu.vector_load %arg4[%get3A_1, %get3A_2] {strides = array<i32>} : memref<4x64xf32, #tpu.memory_space<vmem>>, vector<16xf32>,
    %get3A_4 = arith.constant 0 : i32
    %get3A_5 = arith.index_cast %get3A_4 : i32 to index
    %get3A_6 = arith.constant 16 : index
    %get3A_7 = tpu.vector_load %arg4[%get3A_5, %get3A_6] {strides = array<i32>} : memref<4x64xf32, #tpu.memory_space<vmem>>, vector<16xf32>,
    %get3A_8 = arith.constant 0 : i32
    %get3A_9 = arith.index_cast %get3A_8 : i32 to index
    %get3A_10 = arith.constant 32 : index
    %get3A_11 = tpu.vector_load %arg4[%get3A_9, %get3A_10] {strides = array<i32>} : memref<4x64xf32, #tpu.memory_space<vmem>>, vector<16xf32>,
    %get3A_12 = arith.constant 0 : i32
    %get3A_13 = arith.index_cast %get3A_12 : i32 to index
    %get3A_14 = arith.constant 48 : index
    %get3A_15 = tpu.vector_load %arg4[%get3A_13, %get3A_14] {strides = array<i32>} : memref<4x64xf32, #tpu.memory_space<vmem>>, vector<16xf32>,
    %max3A = arith.maximumf %get3A_3, %get3A_7 : vector<16xf32>
    %max3A_16 = arith.maximumf %max3A, %get3A_11 : vector<16xf32>
    %max3A_17 = arith.maximumf %max3A_16, %get3A_15 : vector<16xf32>
    %reduce_max3A = arith.constant true
    %reduce_max3A_18 = vector.broadcast %reduce_max3A : i1 to vector<16xi1>
    %reduce_max3A_19 = tpu.scan <max>, %max3A_17 masked %reduce_max3A_18 : vector<16xf32>, vector<16xi1> -> vector<16xf32>
    %reduce_max3A_20 = vector.extract %reduce_max3A_19[15] : f32 from vector<16xf32>
    %sub3A = vector.broadcast %reduce_max3A_20 : f32 to vector<16xf32>
    %sub3A_21 = arith.subf %get3A_3, %sub3A : vector<16xf32>
    %exp3A = math.exp %sub3A_21 : vector<16xf32>
    %sub3A_22 = vector.broadcast %reduce_max3A_20 : f32 to vector<16xf32>
    %sub3A_23 = arith.subf %get3A_7, %sub3A_22 : vector<16xf32>
    %exp3A_24 = math.exp %sub3A_23 : vector<16xf32>
    %sub3A_25 = vector.broadcast %reduce_max3A_20 : f32 to vector<16xf32>
    %sub3A_26 = arith.subf %get3A_11, %sub3A_25 : vector<16xf32>
    %exp3A_27 = math.exp %sub3A_26 : vector<16xf32>
    %sub3A_28 = vector.broadcast %reduce_max3A_20 : f32 to vector<16xf32>
    %sub3A_29 = arith.subf %get3A_15, %sub3A_28 : vector<16xf32>
    %exp3A_30 = math.exp %sub3A_29 : vector<16xf32>
    %add3A = arith.addf %exp3A, %exp3A_24 : vector<16xf32>
    %add3A_31 = arith.addf %add3A, %exp3A_27 : vector<16xf32>
    %add3A_32 = arith.addf %add3A_31, %exp3A_30 : vector<16xf32>
    %reduce_sum3A = arith.constant true
    %reduce_sum3A_33 = vector.broadcast %reduce_sum3A : i1 to vector<16xi1>
    %reduce_sum3A_34 = tpu.scan <sum>, %add3A_32 masked %reduce_sum3A_33 : vector<16xf32>, vector<16xi1> -> vector<16xf32>
    %reduce_sum3A_35 = vector.extract %reduce_sum3A_34[15] : f32 from vector<16xf32>
    %broadcast_in_dim3A = vector.broadcast %reduce_sum3A_35 : f32 to vector<16xf32>
    %div3A = arith.constant 1.000000e+00 : f32
    %div3A_36 = vector.broadcast %div3A : f32 to vector<16xf32>
    %div3A_37 = arith.divf %div3A_36, %broadcast_in_dim3A : vector<16xf32>
    %mul3A_38 = arith.mulf %exp3A, %div3A_37 : vector<16xf32>
    %swap3A = arith.constant 0 : i32
    %swap3A_39 = arith.index_cast %swap3A : i32 to index
    %swap3A_40 = arith.constant 0 : index
    %swap3A_41 = tpu.vector_load %arg5[%swap3A_39, %swap3A_40] {strides = array<i32>} : memref<4x64xf32, #tpu.memory_space<vmem>>, vector<16xf32>,
    tpu.vector_store %arg5[%swap3A_39, %swap3A_40], %mul3A_38 {strides = array<i32>} : memref<4x64xf32, #tpu.memory_space<vmem>>, vector<16xf32>,
    %mul3A_42 = arith.mulf %exp3A_24, %div3A_37 : vector<16xf32>
    %swap3A_43 = arith.constant 0 : i32
    %swap3A_44 = arith.index_cast %swap3A_43 : i32 to index
    %swap3A_45 = arith.constant 16 : index
    %swap3A_46 = tpu.vector_load %arg5[%swap3A_44, %swap3A_45] {strides = array<i32>} : memref<4x64xf32, #tpu.memory_space<vmem>>, vector<16xf32>,
    tpu.vector_store %arg5[%swap3A_44, %swap3A_45], %mul3A_42 {strides = array<i32>} : memref<4x64xf32, #tpu.memory_space<vmem>>, vector<16xf32>,
    %mul3A_47 = arith.mulf %exp3A_27, %div3A_37 : vector<16xf32>
    %swap3A_48 = arith.constant 0 : i32
    %swap3A_49 = arith.index_cast %swap3A_48 : i32 to index
    %swap3A_50 = arith.constant 32 : index
    %swap3A_51 = tpu.vector_load %arg5[%swap3A_49, %swap3A_50] {strides = array<i32>} : memref<4x64xf32, #tpu.memory_space<vmem>>, vector<16xf32>,
    tpu.vector_store %arg5[%swap3A_49, %swap3A_50], %mul3A_47 {strides = array<i32>} : memref<4x64xf32, #tpu.memory_space<vmem>>, vector<16xf32>,
    %mul3A_52 = arith.mulf %exp3A_30, %div3A_37 : vector<16xf32>
    %swap3A_53 = arith.constant 0 : i32
    %swap3A_54 = arith.index_cast %swap3A_53 : i32 to index
    %swap3A_55 = arith.constant 48 : index
    %swap3A_56 = tpu.vector_load %arg5[%swap3A_54, %swap3A_55] {strides = array<i32>} : memref<4x64xf32, #tpu.memory_space<vmem>>, vector<16xf32>,
    tpu.vector_store %arg5[%swap3A_54, %swap3A_55], %mul3A_52 {strides = array<i32>} : memref<4x64xf32, #tpu.memory_space<vmem>>, vector<16xf32>,
    %get3A_57 = arith.constant 1 : i32
    %get3A_58 = arith.index_cast %get3A_57 : i32 to index
    %get3A_59 = arith.constant 0 : index
    %get3A_60 = tpu.vector_load %arg4[%get3A_58, %get3A_59] {strides = array<i32>} : memref<4x64xf32, #tpu.memory_space<vmem>>, vector<16xf32>,
    %get3A_61 = arith.constant 1 : i32
    %get3A_62 = arith.index_cast %get3A_61 : i32 to index
    %get3A_63 = arith.constant 16 : index
    %get3A_64 = tpu.vector_load %arg4[%get3A_62, %get3A_63] {strides = array<i32>} : memref<4x64xf32, #tpu.memory_space<vmem>>, vector<16xf32>,
    %get3A_65 = arith.constant 1 : i32
    %get3A_66 = arith.index_cast %get3A_65 : i32 to index
    %get3A_67 = arith.constant 32 : index
    %get3A_68 = tpu.vector_load %arg4[%get3A_66, %get3A_67] {strides = array<i32>} : memref<4x64xf32, #tpu.memory_space<vmem>>, vector<16xf32>,
    %get3A_69 = arith.constant 1 : i32
    %get3A_70 = arith.index_cast %get3A_69 : i32 to index
    %get3A_71 = arith.constant 48 : index
    %get3A_72 = tpu.vector_load %arg4[%get3A_70, %get3A_71] {strides = array<i32>} : memref<4x64xf32, #tpu.memory_space<vmem>>, vector<16xf32>,
    %max3A_73 = arith.maximumf %get3A_60, %get3A_64 : vector<16xf32>
    %max3A_74 = arith.maximumf %max3A_73, %get3A_68 : vector<16xf32>
    %max3A_75 = arith.maximumf %max3A_74, %get3A_72 : vector<16xf32>
    %reduce_max3A_76 = arith.constant true
    %reduce_max3A_77 = vector.broadcast %reduce_max3A_76 : i1 to vector<16xi1>
    %reduce_max3A_78 = tpu.scan <max>, %max3A_75 masked %reduce_max3A_77 : vector<16xf32>, vector<16xi1> -> vector<16xf32>
    %reduce_max3A_79 = vector.extract %reduce_max3A_78[15] : f32 from vector<16xf32>
    %sub3A_80 = vector.broadcast %reduce_max3A_79 : f32 to vector<16xf32>
    %sub3A_81 = arith.subf %get3A_60, %sub3A_80 : vector<16xf32>
    %exp3A_82 = math.exp %sub3A_81 : vector<16xf32>
    %sub3A_83 = vector.broadcast %reduce_max3A_79 : f32 to vector<16xf32>
    %sub3A_84 = arith.subf %get3A_64, %sub3A_83 : vector<16xf32>
    %exp3A_85 = math.exp %sub3A_84 : vector<16xf32>
    %sub3A_86 = vector.broadcast %reduce_max3A_79 : f32 to vector<16xf32>
    %sub3A_87 = arith.subf %get3A_68, %sub3A_86 : vector<16xf32>
    %exp3A_88 = math.exp %sub3A_87 : vector<16xf32>
    %sub3A_89 = vector.broadcast %reduce_max3A_79 : f32 to vector<16xf32>
    %sub3A_90 = arith.subf %get3A_72, %sub3A_89 : vector<16xf32>
    %exp3A_91 = math.exp %sub3A_90 : vector<16xf32>
    %add3A_92 = arith.addf %exp3A_82, %exp3A_85 : vector<16xf32>
    %add3A_93 = arith.addf %add3A_92, %exp3A_88 : vector<16xf32>
    %add3A_94 = arith.addf %add3A_93, %exp3A_91 : vector<16xf32>
    %reduce_sum3A_95 = arith.constant true
    %reduce_sum3A_96 = vector.broadcast %reduce_sum3A_95 : i1 to vector<16xi1>
    %reduce_sum3A_97 = tpu.scan <sum>, %add3A_94 masked %reduce_sum3A_96 : vector<16xf32>, vector<16xi1> -> vector<16xf32>
    %reduce_sum3A_98 = vector.extract %reduce_sum3A_97[15] : f32 from vector<16xf32>
    %broadcast_in_dim3A_99 = vector.broadcast %reduce_sum3A_98 : f32 to vector<16xf32>
    %div3A_100 = arith.constant 1.000000e+00 : f32
    %div3A_101 = vector.broadcast %div3A_100 : f32 to vector<16xf32>
    %div3A_102 = arith.divf %div3A_101, %broadcast_in_dim3A_99 : vector<16xf32>
    %mul3A_103 = arith.mulf %exp3A_82, %div3A_102 : vector<16xf32>
    %swap3A_104 = arith.constant 1 : i32
    %swap3A_105 = arith.index_cast %swap3A_104 : i32 to index
    %swap3A_106 = arith.constant 0 : index
    %swap3A_107 = tpu.vector_load %arg5[%swap3A_105, %swap3A_106] {strides = array<i32>} : memref<4x64xf32, #tpu.memory_space<vmem>>, vector<16xf32>,
    tpu.vector_store %arg5[%swap3A_105, %swap3A_106], %mul3A_103 {strides = array<i32>} : memref<4x64xf32, #tpu.memory_space<vmem>>, vector<16xf32>,
    %mul3A_108 = arith.mulf %exp3A_85, %div3A_102 : vector<16xf32>
    %swap3A_109 = arith.constant 1 : i32
    %swap3A_110 = arith.index_cast %swap3A_109 : i32 to index
    %swap3A_111 = arith.constant 16 : index
    %swap3A_112 = tpu.vector_load %arg5[%swap3A_110, %swap3A_111] {strides = array<i32>} : memref<4x64xf32, #tpu.memory_space<vmem>>, vector<16xf32>,
    tpu.vector_store %arg5[%swap3A_110, %swap3A_111], %mul3A_108 {strides = array<i32>} : memref<4x64xf32, #tpu.memory_space<vmem>>, vector<16xf32>,
    %mul3A_113 = arith.mulf %exp3A_88, %div3A_102 : vector<16xf32>
    %swap3A_114 = arith.constant 1 : i32
    %swap3A_115 = arith.index_cast %swap3A_114 : i32 to index
    %swap3A_116 = arith.constant 32 : index
    %swap3A_117 = tpu.vector_load %arg5[%swap3A_115, %swap3A_116] {strides = array<i32>} : memref<4x64xf32, #tpu.memory_space<vmem>>, vector<16xf32>,
    tpu.vector_store %arg5[%swap3A_115, %swap3A_116], %mul3A_113 {strides = array<i32>} : memref<4x64xf32, #tpu.memory_space<vmem>>, vector<16xf32>,
    %mul3A_118 = arith.mulf %exp3A_91, %div3A_102 : vector<16xf32>
    %swap3A_119 = arith.constant 1 : i32
    %swap3A_120 = arith.index_cast %swap3A_119 : i32 to index
    %swap3A_121 = arith.constant 48 : index
    %swap3A_122 = tpu.vector_load %arg5[%swap3A_120, %swap3A_121] {strides = array<i32>} : memref<4x64xf32, #tpu.memory_space<vmem>>, vector<16xf32>,
    tpu.vector_store %arg5[%swap3A_120, %swap3A_121], %mul3A_118 {strides = array<i32>} : memref<4x64xf32, #tpu.memory_space<vmem>>, vector<16xf32>,
    %get3A_123 = arith.constant 2 : i32
    %get3A_124 = arith.index_cast %get3A_123 : i32 to index
    %get3A_125 = arith.constant 0 : index
    %get3A_126 = tpu.vector_load %arg4[%get3A_124, %get3A_125] {strides = array<i32>} : memref<4x64xf32, #tpu.memory_space<vmem>>, vector<16xf32>,
    %get3A_127 = arith.constant 2 : i32
    %get3A_128 = arith.index_cast %get3A_127 : i32 to index
    %get3A_129 = arith.constant 16 : index
    %get3A_130 = tpu.vector_load %arg4[%get3A_128, %get3A_129] {strides = array<i32>} : memref<4x64xf32, #tpu.memory_space<vmem>>, vector<16xf32>,
    %get3A_131 = arith.constant 2 : i32
    %get3A_132 = arith.index_cast %get3A_131 : i32 to index
    %get3A_133 = arith.constant 32 : index
    %get3A_134 = tpu.vector_load %arg4[%get3A_132, %get3A_133] {strides = array<i32>} : memref<4x64xf32, #tpu.memory_space<vmem>>, vector<16xf32>,
    %get3A_135 = arith.constant 2 : i32
    %get3A_136 = arith.index_cast %get3A_135 : i32 to index
    %get3A_137 = arith.constant 48 : index
    %get3A_138 = tpu.vector_load %arg4[%get3A_136, %get3A_137] {strides = array<i32>} : memref<4x64xf32, #tpu.memory_space<vmem>>, vector<16xf32>,
    %max3A_139 = arith.maximumf %get3A_126, %get3A_130 : vector<16xf32>
    %max3A_140 = arith.maximumf %max3A_139, %get3A_134 : vector<16xf32>
    %max3A_141 = arith.maximumf %max3A_140, %get3A_138 : vector<16xf32>
    %reduce_max3A_142 = arith.constant true
    %reduce_max3A_143 = vector.broadcast %reduce_max3A_142 : i1 to vector<16xi1>
    %reduce_max3A_144 = tpu.scan <max>, %max3A_141 masked %reduce_max3A_143 : vector<16xf32>, vector<16xi1> -> vector<16xf32>
    %reduce_max3A_145 = vector.extract %reduce_max3A_144[15] : f32 from vector<16xf32>
    %sub3A_146 = vector.broadcast %reduce_max3A_145 : f32 to vector<16xf32>
    %sub3A_147 = arith.subf %get3A_126, %sub3A_146 : vector<16xf32>
    %exp3A_148 = math.exp %sub3A_147 : vector<16xf32>
    %sub3A_149 = vector.broadcast %reduce_max3A_145 : f32 to vector<16xf32>
    %sub3A_150 = arith.subf %get3A_130, %sub3A_149 : vector<16xf32>
    %exp3A_151 = math.exp %sub3A_150 : vector<16xf32>
    %sub3A_152 = vector.broadcast %reduce_max3A_145 : f32 to vector<16xf32>
    %sub3A_153 = arith.subf %get3A_134, %sub3A_152 : vector<16xf32>
    %exp3A_154 = math.exp %sub3A_153 : vector<16xf32>
    %sub3A_155 = vector.broadcast %reduce_max3A_145 : f32 to vector<16xf32>
    %sub3A_156 = arith.subf %get3A_138, %sub3A_155 : vector<16xf32>
    %exp3A_157 = math.exp %sub3A_156 : vector<16xf32>
    %add3A_158 = arith.addf %exp3A_148, %exp3A_151 : vector<16xf32>
    %add3A_159 = arith.addf %add3A_158, %exp3A_154 : vector<16xf32>
    %add3A_160 = arith.addf %add3A_159, %exp3A_157 : vector<16xf32>
    %reduce_sum3A_161 = arith.constant true
    %reduce_sum3A_162 = vector.broadcast %reduce_sum3A_161 : i1 to vector<16xi1>
    %reduce_sum3A_163 = tpu.scan <sum>, %add3A_160 masked %reduce_sum3A_162 : vector<16xf32>, vector<16xi1> -> vector<16xf32>
    %reduce_sum3A_164 = vector.extract %reduce_sum3A_163[15] : f32 from vector<16xf32>
    %broadcast_in_dim3A_165 = vector.broadcast %reduce_sum3A_164 : f32 to vector<16xf32>
    %div3A_166 = arith.constant 1.000000e+00 : f32
    %div3A_167 = vector.broadcast %div3A_166 : f32 to vector<16xf32>
    %div3A_168 = arith.divf %div3A_167, %broadcast_in_dim3A_165 : vector<16xf32>
    %mul3A_169 = arith.mulf %exp3A_148, %div3A_168 : vector<16xf32>
    %swap3A_170 = arith.constant 2 : i32
    %swap3A_171 = arith.index_cast %swap3A_170 : i32 to index
    %swap3A_172 = arith.constant 0 : index
    %swap3A_173 = tpu.vector_load %arg5[%swap3A_171, %swap3A_172] {strides = array<i32>} : memref<4x64xf32, #tpu.memory_space<vmem>>, vector<16xf32>,
    tpu.vector_store %arg5[%swap3A_171, %swap3A_172], %mul3A_169 {strides = array<i32>} : memref<4x64xf32, #tpu.memory_space<vmem>>, vector<16xf32>,
    %mul3A_174 = arith.mulf %exp3A_151, %div3A_168 : vector<16xf32>
    %swap3A_175 = arith.constant 2 : i32
    %swap3A_176 = arith.index_cast %swap3A_175 : i32 to index
    %swap3A_177 = arith.constant 16 : index
    %swap3A_178 = tpu.vector_load %arg5[%swap3A_176, %swap3A_177] {strides = array<i32>} : memref<4x64xf32, #tpu.memory_space<vmem>>, vector<16xf32>,
    tpu.vector_store %arg5[%swap3A_176, %swap3A_177], %mul3A_174 {strides = array<i32>} : memref<4x64xf32, #tpu.memory_space<vmem>>, vector<16xf32>,
    %mul3A_179 = arith.mulf %exp3A_154, %div3A_168 : vector<16xf32>
    %swap3A_180 = arith.constant 2 : i32
    %swap3A_181 = arith.index_cast %swap3A_180 : i32 to index
    %swap3A_182 = arith.constant 32 : index
    %swap3A_183 = tpu.vector_load %arg5[%swap3A_181, %swap3A_182] {strides = array<i32>} : memref<4x64xf32, #tpu.memory_space<vmem>>, vector<16xf32>,
    tpu.vector_store %arg5[%swap3A_181, %swap3A_182], %mul3A_179 {strides = array<i32>} : memref<4x64xf32, #tpu.memory_space<vmem>>, vector<16xf32>,
    %mul3A_184 = arith.mulf %exp3A_157, %div3A_168 : vector<16xf32>
    %swap3A_185 = arith.constant 2 : i32
    %swap3A_186 = arith.index_cast %swap3A_185 : i32 to index
    %swap3A_187 = arith.constant 48 : index
    %swap3A_188 = tpu.vector_load %arg5[%swap3A_186, %swap3A_187] {strides = array<i32>} : memref<4x64xf32, #tpu.memory_space<vmem>>, vector<16xf32>,
    tpu.vector_store %arg5[%swap3A_186, %swap3A_187], %mul3A_184 {strides = array<i32>} : memref<4x64xf32, #tpu.memory_space<vmem>>, vector<16xf32>,
    %get3A_189 = arith.constant 3 : i32
    %get3A_190 = arith.index_cast %get3A_189 : i32 to index
    %get3A_191 = arith.constant 0 : index
    %get3A_192 = tpu.vector_load %arg4[%get3A_190, %get3A_191] {strides = array<i32>} : memref<4x64xf32, #tpu.memory_space<vmem>>, vector<16xf32>,
    %get3A_193 = arith.constant 3 : i32
    %get3A_194 = arith.index_cast %get3A_193 : i32 to index
    %get3A_195 = arith.constant 16 : index
    %get3A_196 = tpu.vector_load %arg4[%get3A_194, %get3A_195] {strides = array<i32>} : memref<4x64xf32, #tpu.memory_space<vmem>>, vector<16xf32>,
    %get3A_197 = arith.constant 3 : i32
    %get3A_198 = arith.index_cast %get3A_197 : i32 to index
    %get3A_199 = arith.constant 32 : index
    %get3A_200 = tpu.vector_load %arg4[%get3A_198, %get3A_199] {strides = array<i32>} : memref<4x64xf32, #tpu.memory_space<vmem>>, vector<16xf32>,
    %get3A_201 = arith.constant 3 : i32
    %get3A_202 = arith.index_cast %get3A_201 : i32 to index
    %get3A_203 = arith.constant 48 : index
    %get3A_204 = tpu.vector_load %arg4[%get3A_202, %get3A_203] {strides = array<i32>} : memref<4x64xf32, #tpu.memory_space<vmem>>, vector<16xf32>,
    %max3A_205 = arith.maximumf %get3A_192, %get3A_196 : vector<16xf32>
    %max3A_206 = arith.maximumf %max3A_205, %get3A_200 : vector<16xf32>
    %max3A_207 = arith.maximumf %max3A_206, %get3A_204 : vector<16xf32>
    %reduce_max3A_208 = arith.constant true
    %reduce_max3A_209 = vector.broadcast %reduce_max3A_208 : i1 to vector<16xi1>
    %reduce_max3A_210 = tpu.scan <max>, %max3A_207 masked %reduce_max3A_209 : vector<16xf32>, vector<16xi1> -> vector<16xf32>
    %reduce_max3A_211 = vector.extract %reduce_max3A_210[15] : f32 from vector<16xf32>
    %sub3A_212 = vector.broadcast %reduce_max3A_211 : f32 to vector<16xf32>
    %sub3A_213 = arith.subf %get3A_192, %sub3A_212 : vector<16xf32>
    %exp3A_214 = math.exp %sub3A_213 : vector<16xf32>
    %sub3A_215 = vector.broadcast %reduce_max3A_211 : f32 to vector<16xf32>
    %sub3A_216 = arith.subf %get3A_196, %sub3A_215 : vector<16xf32>
    %exp3A_217 = math.exp %sub3A_216 : vector<16xf32>
    %sub3A_218 = vector.broadcast %reduce_max3A_211 : f32 to vector<16xf32>
    %sub3A_219 = arith.subf %get3A_200, %sub3A_218 : vector<16xf32>
    %exp3A_220 = math.exp %sub3A_219 : vector<16xf32>
    %sub3A_221 = vector.broadcast %reduce_max3A_211 : f32 to vector<16xf32>
    %sub3A_222 = arith.subf %get3A_204, %sub3A_221 : vector<16xf32>
    %exp3A_223 = math.exp %sub3A_222 : vector<16xf32>
    %add3A_224 = arith.addf %exp3A_214, %exp3A_217 : vector<16xf32>
    %add3A_225 = arith.addf %add3A_224, %exp3A_220 : vector<16xf32>
    %add3A_226 = arith.addf %add3A_225, %exp3A_223 : vector<16xf32>
    %reduce_sum3A_227 = arith.constant true
    %reduce_sum3A_228 = vector.broadcast %reduce_sum3A_227 : i1 to vector<16xi1>
    %reduce_sum3A_229 = tpu.scan <sum>, %add3A_226 masked %reduce_sum3A_228 : vector<16xf32>, vector<16xi1> -> vector<16xf32>
    %reduce_sum3A_230 = vector.extract %reduce_sum3A_229[15] : f32 from vector<16xf32>
    %broadcast_in_dim3A_231 = vector.broadcast %reduce_sum3A_230 : f32 to vector<16xf32>
    %div3A_232 = arith.constant 1.000000e+00 : f32
    %div3A_233 = vector.broadcast %div3A_232 : f32 to vector<16xf32>
    %div3A_234 = arith.divf %div3A_233, %broadcast_in_dim3A_231 : vector<16xf32>
    %mul3A_235 = arith.mulf %exp3A_214, %div3A_234 : vector<16xf32>
    %swap3A_236 = arith.constant 3 : i32
    %swap3A_237 = arith.index_cast %swap3A_236 : i32 to index
    %swap3A_238 = arith.constant 0 : index
    %swap3A_239 = tpu.vector_load %arg5[%swap3A_237, %swap3A_238] {strides = array<i32>} : memref<4x64xf32, #tpu.memory_space<vmem>>, vector<16xf32>,
    tpu.vector_store %arg5[%swap3A_237, %swap3A_238], %mul3A_235 {strides = array<i32>} : memref<4x64xf32, #tpu.memory_space<vmem>>, vector<16xf32>,
    %mul3A_240 = arith.mulf %exp3A_217, %div3A_234 : vector<16xf32>
    %swap3A_241 = arith.constant 3 : i32
    %swap3A_242 = arith.index_cast %swap3A_241 : i32 to index
    %swap3A_243 = arith.constant 16 : index
    %swap3A_244 = tpu.vector_load %arg5[%swap3A_242, %swap3A_243] {strides = array<i32>} : memref<4x64xf32, #tpu.memory_space<vmem>>, vector<16xf32>,
    tpu.vector_store %arg5[%swap3A_242, %swap3A_243], %mul3A_240 {strides = array<i32>} : memref<4x64xf32, #tpu.memory_space<vmem>>, vector<16xf32>,
    %mul3A_245 = arith.mulf %exp3A_220, %div3A_234 : vector<16xf32>
    %swap3A_246 = arith.constant 3 : i32
    %swap3A_247 = arith.index_cast %swap3A_246 : i32 to index
    %swap3A_248 = arith.constant 32 : index
    %swap3A_249 = tpu.vector_load %arg5[%swap3A_247, %swap3A_248] {strides = array<i32>} : memref<4x64xf32, #tpu.memory_space<vmem>>, vector<16xf32>,
    tpu.vector_store %arg5[%swap3A_247, %swap3A_248], %mul3A_245 {strides = array<i32>} : memref<4x64xf32, #tpu.memory_space<vmem>>, vector<16xf32>,
    %mul3A_250 = arith.mulf %exp3A_223, %div3A_234 : vector<16xf32>
    %swap3A_251 = arith.constant 3 : i32
    %swap3A_252 = arith.index_cast %swap3A_251 : i32 to index
    %swap3A_253 = arith.constant 48 : index
    %swap3A_254 = tpu.vector_load %arg5[%swap3A_252, %swap3A_253] {strides = array<i32>} : memref<4x64xf32, #tpu.memory_space<vmem>>, vector<16xf32>,
    tpu.vector_store %arg5[%swap3A_252, %swap3A_253], %mul3A_250 {strides = array<i32>} : memref<4x64xf32, #tpu.memory_space<vmem>>, vector<16xf32>,
    "tpu.region"() ({
      %run_scoped3A = tpu.sem_alloc : memref<!tpu.dma_semaphore, #tpu.memory_space<semaphore_mem>>
      %dma_start3A = arith.constant 0 : i32
      %dma_start3A_255 = tpu.memref_slice %arg3[%mul3A_0, %dma_start3A] : memref<64x64xf32, #tpu.memory_space<hbm>> -> memref<4x64xf32, #tpu.memory_space<hbm>>
      %dma_start3A_256 = arith.constant 0 : i32
      %dma_start3A_257 = tpu.memref_slice %arg3[%mul3A_0, %dma_start3A_256] : memref<64x64xf32, #tpu.memory_space<hbm>> -> memref<4x64xf32, #tpu.memory_space<hbm>>
      tpu.enqueue_dma source(%arg5 : memref<4x64xf32, #tpu.memory_space<vmem>>) target(%dma_start3A_257 : memref<4x64xf32, #tpu.memory_space<hbm>>) target_semaphore(%run_scoped3A : memref<!tpu.dma_semaphore, #tpu.memory_space<semaphore_mem>>)
      %dma_wait3A = arith.constant 0 : i32
      %dma_wait3A_258 = tpu.memref_slice %arg3[%mul3A_0, %dma_wait3A] : memref<64x64xf32, #tpu.memory_space<hbm>> -> memref<4x64xf32, #tpu.memory_space<hbm>>
      %dma_wait3A_259 = arith.constant 0 : i32
      %dma_wait3A_260 = tpu.memref_slice %arg3[%mul3A_0, %dma_wait3A_259] : memref<64x64xf32, #tpu.memory_space<hbm>> -> memref<4x64xf32, #tpu.memory_space<hbm>>
      tpu.wait_dma2 semaphore(%run_scoped3A : memref<!tpu.dma_semaphore, #tpu.memory_space<semaphore_mem>>) src(%arg5 : memref<4x64xf32, #tpu.memory_space<vmem>>) dst(%dma_wait3A_260 : memref<4x64xf32, #tpu.memory_space<hbm>>)
      tpu.yield
    }) : () -> ()
    return
  }
}

module attributes {stable_mosaic.version = 14 : i64} {
  func.func @_experts_body(%arg0: i32, %arg1: memref<64x768xf32, #tpu.memory_space<vmem>>, %arg2: memref<768x64xf32, #tpu.memory_space<vmem>>, %arg3: memref<1x768x1024xf32, #tpu.memory_space<vmem>>, %arg4: memref<64x1x1024xf32, #tpu.memory_space<vmem>>, %arg5: memref<1x768x1024xf32, #tpu.memory_space<vmem>>, %arg6: memref<64x1x1024xf32, #tpu.memory_space<vmem>>, %arg7: memref<1x1024x768xf32, #tpu.memory_space<vmem>>, %arg8: memref<64x1x768xf32, #tpu.memory_space<vmem>>, %arg9: memref<64x768xf32, #tpu.memory_space<vmem>>, %arg10: memref<1x1xf32, #tpu.memory_space<vmem>>, %arg11: memref<64x64xf32, #tpu.memory_space<vmem>>, %arg12: memref<64x1xi32, #tpu.memory_space<vmem>>, %arg13: memref<64x1xi32, #tpu.memory_space<vmem>>, %arg14: memref<64x1xf32, #tpu.memory_space<vmem>>) attributes {dimension_semantics = [#tpu.dimension_semantics<arbitrary>], iteration_bounds = array<i64: 64>, scalar_prefetch = 0 : i64, scratch_operands = 3 : i64, tpu.core_type = #tpu.core_type<tc>, window_params = [{pipeline_mode = #tpu.pipeline_mode<synchronous>, transform_indices = @transform_0, window_bounds = array<i64: 64, 768>}, {pipeline_mode = #tpu.pipeline_mode<synchronous>, transform_indices = @transform_1, window_bounds = array<i64: 768, 64>}, {transform_indices = @transform_2, window_bounds = array<i64: 1, 768, 1024>}, {pipeline_mode = #tpu.pipeline_mode<synchronous>, transform_indices = @transform_3, window_bounds = array<i64: 64, 1, 1024>}, {transform_indices = @transform_4, window_bounds = array<i64: 1, 768, 1024>}, {pipeline_mode = #tpu.pipeline_mode<synchronous>, transform_indices = @transform_5, window_bounds = array<i64: 64, 1, 1024>}, {transform_indices = @transform_6, window_bounds = array<i64: 1, 1024, 768>}, {pipeline_mode = #tpu.pipeline_mode<synchronous>, transform_indices = @transform_7, window_bounds = array<i64: 64, 1, 768>}, {pipeline_mode = #tpu.pipeline_mode<synchronous>, transform_indices = @transform_8, window_bounds = array<i64: 64, 768>}, {pipeline_mode = #tpu.pipeline_mode<synchronous>, transform_indices = @transform_9, window_bounds = array<i64: 1, 1>}, {pipeline_mode = #tpu.pipeline_mode<synchronous>, transform_indices = @transform_10, window_bounds = array<i64: 64, 64>}]} {
    %eq3A = arith.constant 0 : i32
    %eq3A_0 = arith.cmpi eq, %arg0, %eq3A : i32
    %convert_element_type3A = arith.extui %eq3A_0 : i1 to i32
    %cond3A = arith.constant 0 : i32
    %cond3A_1 = arith.cmpi ne, %convert_element_type3A, %cond3A : i32
    scf.if %cond3A_1 {
      %get3A_71 = arith.constant 0 : index
      %get3A_72 = arith.constant 0 : index
      %get3A_73 = vector.load %arg1[%get3A_71, %get3A_72] : memref<64x768xf32, #tpu.memory_space<vmem>>, vector<64x768xf32>
      %get3A_74 = arith.constant 0 : index
      %get3A_75 = arith.constant 0 : index
      %get3A_76 = vector.load %arg2[%get3A_74, %get3A_75] : memref<768x64xf32, #tpu.memory_space<vmem>>, vector<768x64xf32>
      %dot_general3A_77 = arith.constant dense<0.000000e+00> : vector<64x64xf32>
      %dot_general3A_78 = tpu.matmul %get3A_73, %get3A_76, %dot_general3A_77 {dimension_numbers = #tpu.dot_dimension_numbers<[1], [0], [0], [1], [0, 0, 1, 1], [], []>, transpose_lhs_hint = false} : vector<64x768xf32>, vector<768x64xf32>, vector<64x64xf32> -> vector<64x64xf32>
      %swap3A_79 = arith.constant 0 : index
      %swap3A_80 = arith.constant 0 : index
      %swap3A_81 = vector.load %arg11[%swap3A_79, %swap3A_80] : memref<64x64xf32, #tpu.memory_space<vmem>>, vector<64x64xf32>
      tpu.vector_store %arg11[%swap3A_79, %swap3A_80], %dot_general3A_78 {strides = array<i32>} : memref<64x64xf32, #tpu.memory_space<vmem>>, vector<64x64xf32>,
      %reduce_max3A = arith.constant dense<0xFF800000> : vector<64xf32>
      %reduce_max3A_82 = vector.multi_reduction <maximumf>, %dot_general3A_78, %reduce_max3A [1] : vector<64x64xf32> to vector<64xf32>
      %broadcast_in_dim3A_83 = vector.shape_cast %reduce_max3A_82 : vector<64xf32> to vector<64x1xf32>
      %sub3A = vector.broadcast %broadcast_in_dim3A_83 : vector<64x1xf32> to vector<64x64xf32>
      %sub3A_84 = arith.subf %dot_general3A_78, %sub3A : vector<64x64xf32>
      %exp3A = math.exp %sub3A_84 : vector<64x64xf32>
      %reduce_sum3A = arith.constant dense<0.000000e+00> : vector<64xf32>
      %reduce_sum3A_85 = vector.multi_reduction <add>, %exp3A, %reduce_sum3A [1] : vector<64x64xf32> to vector<64xf32>
      %broadcast_in_dim3A_86 = vector.shape_cast %reduce_sum3A_85 : vector<64xf32> to vector<64x1xf32>
      %div3A = vector.broadcast %broadcast_in_dim3A_86 : vector<64x1xf32> to vector<64x64xf32>
      %div3A_87 = arith.divf %exp3A, %div3A : vector<64x64xf32>
      %iota3A = tpu.iota {dimensions = array<i32: 1>} : vector<64x64xi32>
      %reduce_max3A_88 = arith.constant dense<0xFF800000> : vector<64xf32>
      %reduce_max3A_89 = vector.multi_reduction <maximumf>, %div3A_87, %reduce_max3A_88 [1] : vector<64x64xf32> to vector<64xf32>
      %broadcast_in_dim3A_90 = vector.shape_cast %reduce_max3A_89 : vector<64xf32> to vector<64x1xf32>
      %eq3A_91 = vector.broadcast %broadcast_in_dim3A_90 : vector<64x1xf32> to vector<64x64xf32>
      %eq3A_92 = arith.cmpf oeq, %div3A_87, %eq3A_91 : vector<64x64xf32>
      %jit3A_93 = arith.constant 64 : i32
      %broadcast_in_dim3A_94 = vector.broadcast %jit3A_93 : i32 to vector<64x64xi32>
      %select_n3A_95 = arith.select %eq3A_92, %iota3A, %broadcast_in_dim3A_94 : vector<64x64xi1>, vector<64x64xi32>
      %reduce_min3A = arith.constant dense<2147483647> : vector<64xi32>
      %reduce_min3A_96 = vector.multi_reduction <minsi>, %select_n3A_95, %reduce_min3A [1] : vector<64x64xi32> to vector<64xi32>
      %broadcast_in_dim3A_97 = vector.shape_cast %reduce_min3A_96 : vector<64xi32> to vector<64x1xi32>
      %eq3A_98 = vector.broadcast %broadcast_in_dim3A_97 : vector<64x1xi32> to vector<64x64xi32>
      %eq3A_99 = arith.cmpi eq, %iota3A, %eq3A_98 : vector<64x64xi32>
      %jit3A_100 = arith.constant 0xFF800000 : f32
      %broadcast_in_dim3A_101 = vector.broadcast %jit3A_100 : f32 to vector<64x64xf32>
      %select_n3A_102 = arith.select %eq3A_99, %broadcast_in_dim3A_101, %div3A_87 : vector<64x64xi1>, vector<64x64xf32>
      %reduce_max3A_103 = arith.constant dense<0xFF800000> : vector<64xf32>
      %reduce_max3A_104 = vector.multi_reduction <maximumf>, %select_n3A_102, %reduce_max3A_103 [1] : vector<64x64xf32> to vector<64xf32>
      %broadcast_in_dim3A_105 = vector.shape_cast %reduce_max3A_104 : vector<64xf32> to vector<64x1xf32>
      %eq3A_106 = vector.broadcast %broadcast_in_dim3A_105 : vector<64x1xf32> to vector<64x64xf32>
      %eq3A_107 = arith.cmpf oeq, %select_n3A_102, %eq3A_106 : vector<64x64xf32>
      %jit3A_108 = arith.constant 64 : i32
      %broadcast_in_dim3A_109 = vector.broadcast %jit3A_108 : i32 to vector<64x64xi32>
      %select_n3A_110 = arith.select %eq3A_107, %iota3A, %broadcast_in_dim3A_109 : vector<64x64xi1>, vector<64x64xi32>
      %reduce_min3A_111 = arith.constant dense<2147483647> : vector<64xi32>
      %reduce_min3A_112 = vector.multi_reduction <minsi>, %select_n3A_110, %reduce_min3A_111 [1] : vector<64x64xi32> to vector<64xi32>
      %broadcast_in_dim3A_113 = vector.shape_cast %reduce_min3A_112 : vector<64xi32> to vector<64x1xi32>
      %swap3A_114 = arith.constant 0 : index
      %swap3A_115 = arith.constant 0 : index
      %swap3A_116 = vector.load %arg12[%swap3A_114, %swap3A_115] : memref<64x1xi32, #tpu.memory_space<vmem>>, vector<64x1xi32>
      tpu.vector_store %arg12[%swap3A_114, %swap3A_115], %broadcast_in_dim3A_97 {strides = array<i32>} : memref<64x1xi32, #tpu.memory_space<vmem>>, vector<64x1xi32>,
      %swap3A_117 = arith.constant 0 : index
      %swap3A_118 = arith.constant 0 : index
      %swap3A_119 = vector.load %arg13[%swap3A_117, %swap3A_118] : memref<64x1xi32, #tpu.memory_space<vmem>>, vector<64x1xi32>
      tpu.vector_store %arg13[%swap3A_117, %swap3A_118], %broadcast_in_dim3A_113 {strides = array<i32>} : memref<64x1xi32, #tpu.memory_space<vmem>>, vector<64x1xi32>,
      %add3A_120 = arith.addf %broadcast_in_dim3A_90, %broadcast_in_dim3A_105 : vector<64x1xf32>
      %swap3A_121 = arith.constant 0 : index
      %swap3A_122 = arith.constant 0 : index
      %swap3A_123 = vector.load %arg14[%swap3A_121, %swap3A_122] : memref<64x1xf32, #tpu.memory_space<vmem>>, vector<64x1xf32>
      tpu.vector_store %arg14[%swap3A_121, %swap3A_122], %add3A_120 {strides = array<i32>} : memref<64x1xf32, #tpu.memory_space<vmem>>, vector<64x1xf32>,
      %reduce_sum3A_124 = arith.constant dense<0.000000e+00> : vector<64xf32>
      %reduce_sum3A_125 = vector.multi_reduction <add>, %div3A_87, %reduce_sum3A_124 [0] : vector<64x64xf32> to vector<64xf32>
      %div3A_126 = arith.constant 6.400000e+01 : f32
      %div3A_127 = vector.broadcast %div3A_126 : f32 to vector<64xf32>
      %div3A_128 = arith.divf %reduce_sum3A_125, %div3A_127 : vector<64xf32>
      %add3A_129 = arith.constant 9.99999971E-10 : f32
      %add3A_130 = vector.broadcast %add3A_129 : f32 to vector<64xf32>
      %add3A_131 = arith.addf %div3A_128, %add3A_130 : vector<64xf32>
      %log3A = math.log %add3A_131 : vector<64xf32>
      %mul3A_132 = arith.mulf %div3A_128, %log3A : vector<64xf32>
      %reduce_sum3A_133 = vector.shape_cast %mul3A_132 : vector<64xf32> to vector<1x64xf32>
      %reduce_sum3A_134 = arith.constant dense<0.000000e+00> : vector<1xf32>
      %reduce_sum3A_135 = vector.multi_reduction <add>, %reduce_sum3A_133, %reduce_sum3A_134 [1] : vector<1x64xf32> to vector<1xf32>
      %reduce_sum3A_136 = vector.shape_cast %reduce_sum3A_135 : vector<1xf32> to vector<1x1xf32>
      %reduce_sum3A_137 = vector.extract %reduce_sum3A_136[0, 0] : f32 from vector<1x1xf32>
      %neg3A = arith.constant 0.000000e+00 : f32
      %neg3A_138 = arith.subf %neg3A, %reduce_sum3A_137 : f32
      %squeeze3A = vector.shape_cast %broadcast_in_dim3A_83 : vector<64x1xf32> to vector<64xf32>
      %squeeze3A_139 = vector.shape_cast %broadcast_in_dim3A_86 : vector<64x1xf32> to vector<64xf32>
      %log3A_140 = math.log %squeeze3A_139 : vector<64xf32>
      %add3A_141 = arith.addf %squeeze3A, %log3A_140 : vector<64xf32>
      %mul3A_142 = arith.mulf %add3A_141, %add3A_141 : vector<64xf32>
      %reduce_sum3A_143 = vector.shape_cast %mul3A_142 : vector<64xf32> to vector<1x64xf32>
      %reduce_sum3A_144 = arith.constant dense<0.000000e+00> : vector<1xf32>
      %reduce_sum3A_145 = vector.multi_reduction <add>, %reduce_sum3A_143, %reduce_sum3A_144 [1] : vector<1x64xf32> to vector<1xf32>
      %reduce_sum3A_146 = vector.shape_cast %reduce_sum3A_145 : vector<1xf32> to vector<1x1xf32>
      %reduce_sum3A_147 = vector.extract %reduce_sum3A_146[0, 0] : f32 from vector<1x1xf32>
      %div3A_148 = arith.constant 6.400000e+01 : f32
      %div3A_149 = arith.divf %reduce_sum3A_147, %div3A_148 : f32
      %mul3A_150 = arith.constant 1.000000e-03 : f32
      %mul3A_151 = arith.mulf %div3A_149, %mul3A_150 : f32
      %add3A_152 = arith.addf %neg3A_138, %mul3A_151 : f32
      %reshape3A = vector.broadcast %add3A_152 : f32 to vector<1x1xf32>
      %swap3A_153 = arith.constant 0 : index
      %swap3A_154 = arith.constant 0 : index
      %swap3A_155 = vector.load %arg10[%swap3A_153, %swap3A_154] : memref<1x1xf32, #tpu.memory_space<vmem>>, vector<1x1xf32>
      tpu.vector_store %arg10[%swap3A_153, %swap3A_154], %reshape3A {strides = array<i32>} : memref<1x1xf32, #tpu.memory_space<vmem>>, vector<1x1xf32>,
      %broadcast_in_dim3A_156 = arith.constant 0.000000e+00 : f32
      %broadcast_in_dim3A_157 = vector.broadcast %broadcast_in_dim3A_156 : f32 to vector<64x768xf32>
      %swap3A_158 = arith.constant 0 : index
      %swap3A_159 = arith.constant 0 : index
      %swap3A_160 = vector.load %arg9[%swap3A_158, %swap3A_159] : memref<64x768xf32, #tpu.memory_space<vmem>>, vector<64x768xf32>
      tpu.vector_store %arg9[%swap3A_158, %swap3A_159], %broadcast_in_dim3A_157 {strides = array<i32>} : memref<64x768xf32, #tpu.memory_space<vmem>>, vector<64x768xf32>,
    } else {
    }
    %get3A = arith.constant 0 : index
    %get3A_2 = arith.constant 0 : index
    %get3A_3 = vector.load %arg1[%get3A, %get3A_2] : memref<64x768xf32, #tpu.memory_space<vmem>>, vector<64x768xf32>
    %get3A_4 = arith.constant 0 : index
    %get3A_5 = arith.constant 0 : index
    %get3A_6 = arith.constant 0 : index
    %get3A_7 = vector.load %arg3[%get3A_4, %get3A_5, %get3A_6] : memref<1x768x1024xf32, #tpu.memory_space<vmem>>, vector<1x768x1024xf32>
    %get3A_8 = vector.shape_cast %get3A_7 : vector<1x768x1024xf32> to vector<768x1024xf32>
    %dot_general3A = arith.constant dense<0.000000e+00> : vector<64x1024xf32>
    %dot_general3A_9 = tpu.matmul %get3A_3, %get3A_8, %dot_general3A {dimension_numbers = #tpu.dot_dimension_numbers<[1], [0], [0], [1], [0, 0, 1, 1], [], []>, transpose_lhs_hint = false} : vector<64x768xf32>, vector<768x1024xf32>, vector<64x1024xf32> -> vector<64x1024xf32>
    %get3A_10 = arith.index_cast %arg0 : i32 to index
    %get3A_11 = arith.constant 0 : index
    %get3A_12 = arith.constant 0 : index
    %get3A_13 = vector.load %arg4[%get3A_10, %get3A_11, %get3A_12] : memref<64x1x1024xf32, #tpu.memory_space<vmem>>, vector<1x1x1024xf32>
    %get3A_14 = vector.shape_cast %get3A_13 : vector<1x1x1024xf32> to vector<1x1024xf32>
    %add3A = vector.broadcast %get3A_14 : vector<1x1024xf32> to vector<64x1024xf32>
    %add3A_15 = arith.addf %dot_general3A_9, %add3A : vector<64x1024xf32>
    %get3A_16 = arith.constant 0 : index
    %get3A_17 = arith.constant 0 : index
    %get3A_18 = arith.constant 0 : index
    %get3A_19 = vector.load %arg5[%get3A_16, %get3A_17, %get3A_18] : memref<1x768x1024xf32, #tpu.memory_space<vmem>>, vector<1x768x1024xf32>
    %get3A_20 = vector.shape_cast %get3A_19 : vector<1x768x1024xf32> to vector<768x1024xf32>
    %dot_general3A_21 = arith.constant dense<0.000000e+00> : vector<64x1024xf32>
    %dot_general3A_22 = tpu.matmul %get3A_3, %get3A_20, %dot_general3A_21 {dimension_numbers = #tpu.dot_dimension_numbers<[1], [0], [0], [1], [0, 0, 1, 1], [], []>, transpose_lhs_hint = false} : vector<64x768xf32>, vector<768x1024xf32>, vector<64x1024xf32> -> vector<64x1024xf32>
    %get3A_23 = arith.index_cast %arg0 : i32 to index
    %get3A_24 = arith.constant 0 : index
    %get3A_25 = arith.constant 0 : index
    %get3A_26 = vector.load %arg6[%get3A_23, %get3A_24, %get3A_25] : memref<64x1x1024xf32, #tpu.memory_space<vmem>>, vector<1x1x1024xf32>
    %get3A_27 = vector.shape_cast %get3A_26 : vector<1x1x1024xf32> to vector<1x1024xf32>
    %add3A_28 = vector.broadcast %get3A_27 : vector<1x1024xf32> to vector<64x1024xf32>
    %add3A_29 = arith.addf %dot_general3A_22, %add3A_28 : vector<64x1024xf32>
    %logistic3A = arith.negf %add3A_15 : vector<64x1024xf32>
    %logistic3A_30 = math.exp %logistic3A : vector<64x1024xf32>
    %logistic3A_31 = arith.constant 1.000000e+00 : f32
    %logistic3A_32 = vector.broadcast %logistic3A_31 : f32 to vector<64x1024xf32>
    %logistic3A_33 = arith.addf %logistic3A_32, %logistic3A_30 : vector<64x1024xf32>
    %logistic3A_34 = arith.divf %logistic3A_32, %logistic3A_33 : vector<64x1024xf32>
    %mul3A = arith.mulf %add3A_15, %logistic3A_34 : vector<64x1024xf32>
    %mul3A_35 = arith.mulf %mul3A, %add3A_29 : vector<64x1024xf32>
    %get3A_36 = arith.constant 0 : index
    %get3A_37 = arith.constant 0 : index
    %get3A_38 = arith.constant 0 : index
    %get3A_39 = vector.load %arg7[%get3A_36, %get3A_37, %get3A_38] : memref<1x1024x768xf32, #tpu.memory_space<vmem>>, vector<1x1024x768xf32>
    %get3A_40 = vector.shape_cast %get3A_39 : vector<1x1024x768xf32> to vector<1024x768xf32>
    %dot_general3A_41 = arith.constant dense<0.000000e+00> : vector<64x768xf32>
    %dot_general3A_42 = tpu.matmul %mul3A_35, %get3A_40, %dot_general3A_41 {dimension_numbers = #tpu.dot_dimension_numbers<[1], [0], [0], [1], [0, 0, 1, 1], [], []>, transpose_lhs_hint = false} : vector<64x1024xf32>, vector<1024x768xf32>, vector<64x768xf32> -> vector<64x768xf32>
    %get3A_43 = arith.index_cast %arg0 : i32 to index
    %get3A_44 = arith.constant 0 : index
    %get3A_45 = arith.constant 0 : index
    %get3A_46 = vector.load %arg8[%get3A_43, %get3A_44, %get3A_45] : memref<64x1x768xf32, #tpu.memory_space<vmem>>, vector<1x1x768xf32>
    %get3A_47 = vector.shape_cast %get3A_46 : vector<1x1x768xf32> to vector<1x768xf32>
    %add3A_48 = vector.broadcast %get3A_47 : vector<1x768xf32> to vector<64x768xf32>
    %add3A_49 = arith.addf %dot_general3A_42, %add3A_48 : vector<64x768xf32>
    %get3A_50 = arith.constant 0 : index
    %get3A_51 = arith.constant 0 : index
    %get3A_52 = vector.load %arg12[%get3A_50, %get3A_51] : memref<64x1xi32, #tpu.memory_space<vmem>>, vector<64x1xi32>
    %eq3A_53 = vector.broadcast %arg0 : i32 to vector<64x1xi32>
    %eq3A_54 = arith.cmpi eq, %get3A_52, %eq3A_53 : vector<64x1xi32>
    %get3A_55 = arith.constant 0 : index
    %get3A_56 = arith.constant 0 : index
    %get3A_57 = vector.load %arg13[%get3A_55, %get3A_56] : memref<64x1xi32, #tpu.memory_space<vmem>>, vector<64x1xi32>
    %eq3A_58 = vector.broadcast %arg0 : i32 to vector<64x1xi32>
    %eq3A_59 = arith.cmpi eq, %get3A_57, %eq3A_58 : vector<64x1xi32>
    %or3A = arith.ori %eq3A_54, %eq3A_59 : vector<64x1xi1>
    %get3A_60 = arith.constant 0 : index
    %get3A_61 = arith.constant 0 : index
    %get3A_62 = vector.load %arg14[%get3A_60, %get3A_61] : memref<64x1xf32, #tpu.memory_space<vmem>>, vector<64x1xf32>
    %jit3A = arith.constant 0.000000e+00 : f32
    %broadcast_in_dim3A = vector.broadcast %jit3A : f32 to vector<64x1xf32>
    %select_n3A = arith.select %or3A, %get3A_62, %broadcast_in_dim3A : vector<64x1xi1>, vector<64x1xf32>
    %get3A_63 = arith.constant 0 : index
    %get3A_64 = arith.constant 0 : index
    %get3A_65 = vector.load %arg9[%get3A_63, %get3A_64] : memref<64x768xf32, #tpu.memory_space<vmem>>, vector<64x768xf32>
    %mul3A_66 = vector.broadcast %select_n3A : vector<64x1xf32> to vector<64x768xf32>
    %mul3A_67 = arith.mulf %add3A_49, %mul3A_66 : vector<64x768xf32>
    %add3A_68 = arith.addf %get3A_65, %mul3A_67 : vector<64x768xf32>
    %swap3A = arith.constant 0 : index
    %swap3A_69 = arith.constant 0 : index
    %swap3A_70 = vector.load %arg9[%swap3A, %swap3A_69] : memref<64x768xf32, #tpu.memory_space<vmem>>, vector<64x768xf32>
    tpu.vector_store %arg9[%swap3A, %swap3A_69], %add3A_68 {strides = array<i32>} : memref<64x768xf32, #tpu.memory_space<vmem>>, vector<64x768xf32>,
    return
  }
  func.func @transform_0(%arg0: i32) -> (i32, i32) {
    %c0_i32 = arith.constant 0 : i32
    %c0_i32_0 = arith.constant 0 : i32
    %c0_i32_1 = arith.constant 0 : i32
    return %c0_i32, %c0_i32_0 : i32, i32
  }
  func.func @transform_1(%arg0: i32) -> (i32, i32) {
    %c0_i32 = arith.constant 0 : i32
    %c0_i32_0 = arith.constant 0 : i32
    %c0_i32_1 = arith.constant 0 : i32
    return %c0_i32, %c0_i32_0 : i32, i32
  }
  func.func @transform_2(%arg0: i32) -> (i32, i32, i32) {
    %c0_i32 = arith.constant 0 : i32
    %c0_i32_0 = arith.constant 0 : i32
    %c0_i32_1 = arith.constant 0 : i32
    return %arg0, %c0_i32, %c0_i32_0 : i32, i32, i32
  }
  func.func @transform_3(%arg0: i32) -> (i32, i32, i32) {
    %c0_i32 = arith.constant 0 : i32
    %c0_i32_0 = arith.constant 0 : i32
    %c0_i32_1 = arith.constant 0 : i32
    %c0_i32_2 = arith.constant 0 : i32
    return %c0_i32, %c0_i32_0, %c0_i32_1 : i32, i32, i32
  }
  func.func @transform_4(%arg0: i32) -> (i32, i32, i32) {
    %c0_i32 = arith.constant 0 : i32
    %c0_i32_0 = arith.constant 0 : i32
    %c0_i32_1 = arith.constant 0 : i32
    return %arg0, %c0_i32, %c0_i32_0 : i32, i32, i32
  }
  func.func @transform_5(%arg0: i32) -> (i32, i32, i32) {
    %c0_i32 = arith.constant 0 : i32
    %c0_i32_0 = arith.constant 0 : i32
    %c0_i32_1 = arith.constant 0 : i32
    %c0_i32_2 = arith.constant 0 : i32
    return %c0_i32, %c0_i32_0, %c0_i32_1 : i32, i32, i32
  }
  func.func @transform_6(%arg0: i32) -> (i32, i32, i32) {
    %c0_i32 = arith.constant 0 : i32
    %c0_i32_0 = arith.constant 0 : i32
    %c0_i32_1 = arith.constant 0 : i32
    return %arg0, %c0_i32, %c0_i32_0 : i32, i32, i32
  }
  func.func @transform_7(%arg0: i32) -> (i32, i32, i32) {
    %c0_i32 = arith.constant 0 : i32
    %c0_i32_0 = arith.constant 0 : i32
    %c0_i32_1 = arith.constant 0 : i32
    %c0_i32_2 = arith.constant 0 : i32
    return %c0_i32, %c0_i32_0, %c0_i32_1 : i32, i32, i32
  }
  func.func @transform_8(%arg0: i32) -> (i32, i32) {
    %c0_i32 = arith.constant 0 : i32
    %c0_i32_0 = arith.constant 0 : i32
    %c0_i32_1 = arith.constant 0 : i32
    return %c0_i32, %c0_i32_0 : i32, i32
  }
  func.func @transform_9(%arg0: i32) -> (i32, i32) {
    %c0_i32 = arith.constant 0 : i32
    %c0_i32_0 = arith.constant 0 : i32
    %c0_i32_1 = arith.constant 0 : i32
    return %c0_i32, %c0_i32_0 : i32, i32
  }
  func.func @transform_10(%arg0: i32) -> (i32, i32) {
    %c0_i32 = arith.constant 0 : i32
    %c0_i32_0 = arith.constant 0 : i32
    %c0_i32_1 = arith.constant 0 : i32
    return %c0_i32, %c0_i32_0 : i32, i32
  }
}

</mosaic_0001>

<sc_bundles>
// kernel: kernel.4.cloned.1.call-start
scs
__scs_entry_jumppad:
0x0: {  	(pc) =	sbr.rel $0x88, $3  }
0x1: {  	(tag) =	ssettag $0x0;
	lr =	simm.s32 $0x1  }
0x2: {  	[smem:$0x3F99] =	sst lr;
	_ =	strace $0xD0000000  }
0x3: {  	_ = 	snop  }
0x4: {  	_ = 	snop  }
0x5: {  	_ = 	snop  }
0x6: {  	_ = 	snop  }
0x7: {  	_ = 	snop  }
__scs_overlays_trampoline_lowered:
0x8: {  	[smem:$0x3FA8] =	sst s0  }
0x9: {  	[smem:$0x3FA9] =	sst s1  }
0xa: {  	[smem:$0x3FAA] =	sst s2  }
0xb: {  	[smem:$0x3FAB] =	sst s3  }
0xc: {  	[smem:$0x3FAC] =	sst s4  }
0xd: {  	[smem:$0x3FAD] =	sst s5  }
0xe: {  	[smem:$0x3FAE] =	sst s6  }
0xf: {  	[smem:$0x3FAF] =	sst s7  }
0x10: {  	[smem:$0x3FB0] =	sst s8  }
0x11: {  	[smem:$0x3FB1] =	sst s9;
	s0 =	simm.s32 @!p0 $0x0  }
0x12: {  	s1 =	sld [smem:$0x3F97];
	s0 =	simm.s32 @p0 $0x1  }
0x13: {  	[smem:$0x3FB2] =	sst s0;
	s0 =	simm.s32 @!p1 $0x0  }
0x14: {  	s2 =	sld [smem:$0x3F96];
	s0 =	simm.s32 @p1 $0x1  }
0x15: {  	[smem:$0x3FB3] =	sst s0;
	s0 =	simm.s32 @!p2 $0x0  }
0x16: {  	s3 =	sld [smem:$0x3FDB];
	s0 =	simm.s32 @p2 $0x1  }
0x17: {  	s4 =	simm.s32 $0x1BF5;
	[smem:$0x3FB5] =	sst s0  }
0x18: {  	s0 =	sld [smem:$0x3F98];
	_ =	swait.ge [sflag:s4], $0x0  }
0x19: {  	s7 =	sld [smem:$0x3F99]  }
0x1a: {  	s8 =	sadd.s32 $0xFFFFE003, lr  }
0x1b: {  	s9 =	sadd.s32 $0xFFFFFEF7, lr;
	s5 =	simm.s32 $0xFFFFFFFF;
	p2 =	slt.u32 s8, $0xFFFFF086  }
0x1c: {  	p1 =	slt.u32 s9, $0xF7A;
	s5 =	simm.s32 @!p2 $0x0  }
0x1d: {  	s5 =	simm.s32 @p1 $0x1;
	p0 =	seq.s32 s7, s2  }
0x1e: {  	s7 =	smul.u32 @!p0 $0xF7A, s2;
	p2 =	seq.s32 @!p0 s5, $0x0  }
0x1f: {  	s9 =	smul.u32 $0xF7A, s1;
	s8 =	simm.s32 @!p0 $0x1BF5;
	p2 =	por !p2, p0  }
0x20: {  	[sflag:s8] =	ssyncset.s32 @!p0 $0xFFFFF086;
	s6 =	sadd.s32 @!p0 s3, s7;
	s7 =	simm.s32 @!p0 $0x108  }
0x21: {  	s3 =	sadd.s32 s3, s9;
	s6 =	sadd.s32 @!p0 $0x88, s6;
	s7 =	simm.s32 @p2 $0x1082  }
0x22: {  	[simem:s7], [sflag:s8] =	dma.local @!p0 [hbm:s6], $0xF7A  }
0x23: {  	s9 =	sor.u32 $0xD0000000, s2;
	s6 =	simm.s32 $0x108;
	_ =	swait.ge @!p0 [sflag:s8], $0x0  }
0x24: {  	s3 =	sadd.s32 $0x88, s3;
	s6 =	simm.s32 @!p1 $0x1082;
	[sflag:s4] =	ssyncset.s32 $0xFFFFF086  }
0x25: {  	[simem:s6], [sflag:s4] =	dma.local [hbm:s3], $0xF7A  }
0x26: {  	[smem:$0x3F99] =	sst s1;
	(tag) =	ssettag s2;
	_ =	strace s9  }
0x27: {  	s1 =	sld [smem:$0x3FA9]  }
0x28: {  	s2 =	sld [smem:$0x3FAA]  }
0x29: {  	s4 =	sld [smem:$0x3FAC]  }
0x2a: {  	p0 =	seq.s32 s5, $0x0;
	s5 =	sld [smem:$0x3FAD]  }
0x2b: {  	s6 =	sld [smem:$0x3FAE]  }
0x2c: {  	s7 =	sld [smem:$0x3FAF]  }
0x2d: {  	s3 =	simm.s32 $0x108;
	s8 =	sld [smem:$0x3FB0]  }
0x2e: {  	s3 =	simm.s32 @!p0 $0x1082;
	s9 =	sld [smem:$0x3FB1]  }
0x2f: {  	lr =	sadd.s32 s0, s3;
	s0 =	sld [smem:$0x3FA8]  }
0x30: {  	s3 =	sld [smem:$0x3FAB]  }
0x31: {  	[smem:$0x3FB4] =	sst s10  }
0x32: {  	s10 =	sld [smem:$0x3FB2];
	_ =	sdelay $0x3  }
0x33: {  	p0 =	seq.s32 s10, $0x1;
	s10 =	sld [smem:$0x3FB4];
	_ =	sdelay $0x3  }
0x34: {  	[smem:$0x3FB4] =	sst s10  }
0x35: {  	s10 =	sld [smem:$0x3FB3];
	_ =	sdelay $0x3  }
0x36: {  	p1 =	seq.s32 s10, $0x1;
	s10 =	sld [smem:$0x3FB4];
	_ =	sdelay $0x3  }
0x37: {  	[smem:$0x3FB4] =	sst s10  }
0x38: {  	s10 =	sld [smem:$0x3FB5]  }
0x39: {  	_ = 	snop;
	(pc) =	sbr.ind lr, $3  }
0x3a: {  	_ = 	snop  }
0x3b: {  	_ = 	snop  }
0x3c: {  	p2 =	seq.s32 s10, $0x1;
	s10 =	sld [smem:$0x3FB4]  }
0x3d: {  	_ =	shalt  }
0x3e: {  	_ =	shalt  }
0x3f: {  	_ =	shalt  }
0x40: {  	_ =	shalt  }
0x41: {  	_ =	shalt  }
0x42: {  	_ =	shalt  }
0x43: {  	_ =	shalt  }
0x44: {  	_ =	shalt  }
0x45: {  	_ =	shalt  }
0x46: {  	_ =	shalt  }
0x47: {  	_ =	shalt  }
0x48: {  	_ =	shalt  }
0x49: {  	_ =	shalt  }
0x4a: {  	_ =	shalt  }
0x4b: {  	_ =	shalt  }
0x4c: {  	_ =	shalt  }
0x4d: {  	_ =	shalt  }
0x4e: {  	_ =	shalt  }
0x4f: {  	_ =	shalt  }
0x50: {  	_ =	shalt  }
0x51: {  	_ =	shalt  }
0x52: {  	_ =	shalt  }
0x53: {  	_ =	shalt  }
0x54: {  	_ =	shalt  }
0x55: {  	_ =	shalt  }
0x56: {  	_ =	shalt  }
0x57: {  	_ =	shalt  }
0x58: {  	_ =	shalt  }
0x59: {  	_ =	shalt  }
0x5a: {  	_ =	shalt  }
0x5b: {  	_ =	shalt  }
0x5c: {  	_ =	shalt  }
0x5d: {  	_ =	shalt  }
0x5e: {  	_ =	shalt  }
0x5f: {  	_ =	shalt  }
0x60: {  	_ =	shalt  }
0x61: {  	_ =	shalt  }
0x62: {  	_ =	shalt  }
0x63: {  	_ =	shalt  }
0x64: {  	_ =	shalt  }
0x65: {  	_ =	shalt  }
0x66: {  	_ =	shalt  }
0x67: {  	_ =	shalt  }
0x68: {  	_ =	shalt  }
0x69: {  	_ =	shalt  }
0x6a: {  	_ =	shalt  }
0x6b: {  	_ =	shalt  }
0x6c: {  	_ =	shalt  }
0x6d: {  	_ =	shalt  }
0x6e: {  	_ =	shalt  }
0x6f: {  	_ =	shalt  }
0x70: {  	_ =	shalt  }
0x71: {  	_ =	shalt  }
0x72: {  	_ =	shalt  }
0x73: {  	_ =	shalt  }
0x74: {  	_ =	shalt  }
0x75: {  	_ =	shalt  }
0x76: {  	_ =	shalt  }
0x77: {  	_ =	shalt  }
0x78: {  	_ =	shalt  }
0x79: {  	_ =	shalt  }
0x7a: {  	_ =	shalt  }
0x7b: {  	_ =	shalt  }
0x7c: {  	_ =	shalt  }
0x7d: {  	_ =	shalt  }
0x7e: {  	_ =	shalt  }
0x7f: {  	_ =	shalt  }
0x80: {  	_ =	shalt  }
0x81: {  	_ =	shalt  }
0x82: {  	_ =	shalt  }
0x83: {  	_ =	shalt  }
0x84: {  	_ =	shalt  }
0x85: {  	_ =	shalt  }
0x86: {  	_ =	shalt  }
0x87: {  	_ =	shalt  }
.Lfunc_end0:
.L_simem_size_0:
called_computation_lowered:
.L_overlay_start_0:
0x88: {  	s0 =	sld [smem:$0x3FD9]  }
0x89: {  	s1 =	sld [smem:$0x3FFE];
	_ =	sdelay $0x3  }
0x8a: {  	s0 =	sadd.s32 s1, s0  }
0x8b: {  	[smem:$0x3FC0] =	sst s0  }
0x8c: {  	_ = 	snop  }
0x8d: {  	s0 =	sld [smem:$0x3FD0];
	_ =	sdelay $0x2  }
0x8e: {  	s13 =	simm.s32 $0xA;
	s2 =	simm.s32 $0x10  }
0x8f: {  	[smem:s2], [sflag:s13] =	dma.local [hbm:s0], $0x1  }
0x90: {  	_ =	swait.eq [sflag:s13], $0x1  }
0x91: {  	[sflag:s13] =	ssyncset.done $0x0  }
0x92: {  	[sflag:s13] =	ssyncadd.s32 $0xFFFFFFFF  }
0x93: {  	s14 =	sld [smem:$0x12];
	(tm) =	ssettm $0x1  }
0x94: {  	s15 =	sld [smem:$0x3FFB];
	_ =	sdelay $0x3  }
0x95: {  	_ =	strace s15  }
0x96: {  	s1 =	sld [smem:$0x3FFC];
	_ =	sdelay $0x3  }
0x97: {  	_ =	strace s1  }
0x98: {  	s1 =	sld [smem:$0x3FFD];
	_ =	sdelay $0x3  }
0x99: {  	_ =	strace s1  }
0x9a: {  	_ =	strace $0x8FFFFFFF  }
0x9b: {  	s16 =	sld [smem:$0x3FDB];
	_ =	sdelay $0x1  }
0x9c: {  	s17 =	simm.s32 $_scs_section_size  }
0x9d: {  	s3 =	simm.s32 $_size__tile_overlayer_lowered;
	s4 =	simm.s32 $_tile_overlayer_lowered  }
0x9e: {  	s20 =	simm.s32 $0x1BFF;
	s19 =	sshll.u32 s4, $0x1;
	s1 =	sadd.s32 s17, s16  }
0x9f: {  	s5 =	simm.s32 $0x0;
	s18 =	sshll.u32 s3, $0x1;
	s3 =	sadd.s32 s19, s1  }
0xa0: {  	[timem:s5], [sflag:s20] =	dma.local [hbm:s3], s18  }
0xa1: {  	_ =	swait.ge [sflag:s20], s18  }
0xa2: {  	s2 =	ssub.s32 $0x0, s18;
	[sflag:s20] =	ssyncset.done $0x0  }
0xa3: {  	[sflag:s20] =	ssyncadd.s32 s2;
	_ =	sdelay $0x1  }
0xa4: {  	s21 =	simm.s32 $0x1B8B  }
0xa5: {  	_ =	swait.ge [sflag:s21], $0x1  }
0xa6: {  	[sflag:s21] =	ssyncset.done $0x0  }
0xa7: {  	s23 =	simm.s32 $0x1B8E;
	s22 =	sld [smem:$0x3FFE];
	[sflag:s21] =	ssyncadd.s32 $0xFFFFFFFF  }
0xa8: {  	s24 =	simm.s32 $execute0_lowered;
	[smem:$0x3FD2] =	sst s23  }
0xa9: {  	s3 =	sshll.u32 s24, $0x1;
	_ =	strace $0x80000046;
	[dreg:$0x1] =	wrdreg $0xFFFFFFFF  }
0xaa: {  	s25 =	simm.s32 $_size_execute0_lowered;
	s1 =	sadd.s32 s1, s3;
	[dreg:$0x0] =	wrdreg $0x0  }
0xab: {  	s3 =	sshll.u32 s25, $0x1;
	[dreg:$0x2] =	wrdreg s1  }
0xac: {  	[dreg:$0x3] =	wrdreg s3  }
0xad: {  	[dreg:$0x4] =	wrdreg $0xC0  }
0xae: {  	_ =	task [dreg:s5], $0x5FFFF  }
0xaf: {  	[dreg:$0x1] =	wrdreg $0xFFFFFFFF  }
0xb0: {  	[dreg:$0x0] =	wrdreg $0x60  }
0xb1: {  	[dreg:$0x2] =	wrdreg s22  }
0xb2: {  	[dreg:$0x3] =	wrdreg s14  }
0xb3: {  	[dreg:$0x4] =	wrdreg $0x9  }
0xb4: {  	_ =	task.clear_ibuf [dreg:s5], $0x5FFFF;
	_ =	strace $0x90000046  }
0xb5: {  	s26 =	simm.s32 $0x9;
	_ =	strace $0x80000048  }
0xb6: {  	_ =	swait.ge [sflag:s26], $0x1  }
0xb7: {  	[sflag:s26] =	ssyncadd.s32 $0xFFFFFFFF  }
0xb8: {  	_ =	strace $0x90000048  }
0xb9: {  	_ =	sfence  }
0xba: {  	s28 =	sld [smem:$0x0];
	_ =	sdelay $0x1  }
0xbb: {  	s29 =	srdreg.scid  }
0xbc: {  	s30 =	sshll.u32 s29, $0xD;
	s31 =	sshrl.u32 s29, $0x2  }
0xbd: {  	s2 =	sand.u32 $0x4000, s30;
	s1 =	sand.u32 $0x1, s29;
	s0 =	sadd.s32 s31, s28  }
0xbe: {  	s1 =	sor.u32 s2, s1;
	s0 =	sshll.u32 s0, $0x11  }
0xbf: {  	s0 =	sor.u32 s0, s1  }
0xc0: {  	s0 =	sadd.s32 $0x8F2B, s0  }
0xc1: {  	[sflag:s0] =	ssyncadd.remote.s32 $0x1  }
0xc2: {  	_ =	sfence.sel $0xFFFF  }
0xc3: {  	[dreg:$0x0] =	wrdreg $0xFFFFFFFF;
	(pc) =	sbr.abs _section_cstart, $3  }
0xc4: {  	[dreg:$0x1] =	wrdreg $0xFFFFFFFF  }
0xc5: {  	_ =	task.clear_ibuf [dreg:s5], $0x2FFFF;
	_ =	strace $0x9FFFFFFF  }
0xc6: {  	(tm) =	ssettm $0x7FFFFFFF  }
0xc7: {  	_ =	shalt  }
tec
execute0_lowered:
.L_overlay_start_1:
0x0: {  	(tag) =	ssettag $0x1  }
0x1: {  	s5 =	rddreg [dreg:$0x0]  }
0x2: {  	s2 =	rddreg [dreg:$0x1];
	s1 =	stileid.u32  }
0x3: {  	s0 =	rddreg [dreg:$0x2];
	s3 =	simm.s32 $0x0;
	s4 =	sshll.u32 s1, $0x6  }
0x4: {  	[smem:$0x7FF] =	sst s3;
	s5 =	sadd.s32 s4, s5  }
0x5: {  	s30 =	simm.s32 $0x1;
	_ =	strace $0x80000047;
	s5 =	sadd.s32 $0x800, s5  }
0x6: {  	[tilespmem:s3], [sflag:$0x1] =	stream.linear.gather [hbm4b:s5+s3], $0x200, $0x38;
	[tilespmem:$0x400] =	vst v63  }
0x7: {  	_ =	swait.ge [sflag:s30], $0x200  }
0x8: {  	[sflag:s30] =	ssyncset.done $0x0  }
0x9: {  	[sflag:s30] =	ssyncadd.s32 $0xFFFFFE00  }
0xa: {  	v0 =	vld [tilespmem:$0x0]  }
0xb: {  	v1 =	vld [tilespmem:$0x10]  }
0xc: {  	v2 =	vld [tilespmem:$0x20]  }
0xd: {  	v3 =	vld [tilespmem:$0x30];
	_ =	sdelay $0x2  }
0xe: {  	v4 =	vmax.f32 v0, v1  }
0xf: {  	v4 =	vmax.f32 v4, v2  }
0x10: {  	v4 =	vmax.f32 v4, v3  }
0x11: {  	(xrf0) =	vmax.scan.msk.f32 $0xffff, v4;
	_ =	sdelay $0x5  }
0x12: {  	v4, _, _ =	vpop (xrf0)  }
0x13: {  	v4 =	vbroadcast v4, $0xF;
	_ =	sdelay $0x1  }
0x14: {  	v0 =	vsub.f32 v0, v4  }
0x15: {  	v1 =	vsub.f32 v1, v4  }
0x16: {  	v0 =	vmul.f32 $1.442695020e+00, v0  }
0x17: {  	v2 =	vsub.f32 v2, v4;
	v1 =	vmul.f32 $1.442695020e+00, v1  }
0x18: {  	(erf) = vpow2.f32 v0  }
0x19: {  	v59 =	vsub.f32 v3, v4;
	v58 =	vmul.f32 $1.442695020e+00, v2;
	(erf) = vpow2.f32 v1;
	_ =	sdelay $0x1  }
0x1a: {  	v60 =	vmul.f32 $1.442695020e+00, v59;
	(erf) = vpow2.f32 v58;
	_ =	sdelay $0x1  }
0x1b: {  	(erf) = vpow2.f32 v60;
	_ =	sdelay $0x3  }
0x1c: {  	v62 =	vld [tilespmem:$0x80];
	v61 =	vpop (erf)  }
0x1d: {  	v15 =	vld [tilespmem:$0x90];
	v63 =	vpop (erf)  }
0x1e: {  	v5 =	vld [tilespmem:$0xA0];
	v16 =	vadd.f32 v63, v61  }
0x1f: {  	v7 =	vld [tilespmem:$0xB0];
	v6 =	vpop (erf)  }
0x20: {  	v4 =	vadd.f32 v16, v6  }
0x21: {  	v8 =	vpop (erf)  }
0x22: {  	v9 =	vmax.f32 v62, v15;
	v4 =	vadd.f32 v4, v8  }
0x23: {  	v9 =	vmax.f32 v9, v5  }
0x24: {  	v17 =	vmax.f32 v9, v7;
	(xrf2) =	vadd.scan.msk.f32 $0xffff, v4  }
0x25: {  	(xrf0) =	vmax.scan.msk.f32 $0xffff, v17;
	_ =	sdelay $0x5  }
0x26: {  	v4, _, _ =	vpop (xrf0)  }
0x27: {  	v4 =	vbroadcast v4, $0xF;
	_ =	sdelay $0x1  }
0x28: {  	v1 =	vsub.f32 v62, v4;
	v18, _, _ =	vpop (xrf2)  }
0x29: {  	v3 =	vsub.f32 v15, v4;
	v9 =	vbroadcast v18, $0xF  }
0x2a: {  	v1 =	vmul.f32 $1.442695020e+00, v1  }
0x2b: {  	v5 =	vsub.f32 v5, v4;
	v3 =	vmul.f32 $1.442695020e+00, v3;
	(erf) = vrcp.f32 v9  }
0x2c: {  	(erf) = vpow2.f32 v1  }
0x2d: {  	v20 =	vsub.f32 v7, v4;
	v19 =	vmul.f32 $1.442695020e+00, v5;
	(erf) = vpow2.f32 v3;
	_ =	sdelay $0x1  }
0x2e: {  	v21 =	vmul.f32 $1.442695020e+00, v20;
	(erf) = vpow2.f32 v19;
	_ =	sdelay $0x1  }
0x2f: {  	(erf) = vpow2.f32 v21;
	_ =	sdelay $0x2  }
0x30: {  	v22 =	vpop (erf)  }
0x31: {  	v24 =	vld [tilespmem:$0x100];
	v23 =	vpop (erf)  }
0x32: {  	v26 =	vld [tilespmem:$0x110];
	v25 =	vpop (erf)  }
0x33: {  	v10 =	vld [tilespmem:$0x120];
	v27 =	vadd.f32 v25, v23  }
0x34: {  	v12 =	vld [tilespmem:$0x130];
	v11 =	vpop (erf)  }
0x35: {  	v9 =	vadd.f32 v27, v11  }
0x36: {  	v13 =	vpop (erf)  }
0x37: {  	v14 =	vmax.f32 v24, v26;
	v9 =	vadd.f32 v9, v13  }
0x38: {  	v14 =	vmax.f32 v14, v10  }
0x39: {  	v28 =	vmax.f32 v14, v12;
	(xrf2) =	vadd.scan.msk.f32 $0xffff, v9  }
0x3a: {  	(xrf0) =	vmax.scan.msk.f32 $0xffff, v28;
	_ =	sdelay $0x5  }
0x3b: {  	v9, _, _ =	vpop (xrf0)  }
0x3c: {  	v9 =	vbroadcast v9, $0xF;
	_ =	sdelay $0x1  }
0x3d: {  	v4 =	vsub.f32 v24, v9;
	v29, _, _ =	vpop (xrf2)  }
0x3e: {  	v7 =	vsub.f32 v26, v9;
	v14 =	vbroadcast v29, $0xF  }
0x3f: {  	v4 =	vmul.f32 $1.442695020e+00, v4  }
0x40: {  	v10 =	vsub.f32 v10, v9;
	v7 =	vmul.f32 $1.442695020e+00, v7;
	(erf) = vrcp.f32 v14  }
0x41: {  	(erf) = vpow2.f32 v4  }
0x42: {  	v31 =	vsub.f32 v12, v9;
	v30 =	vmul.f32 $1.442695020e+00, v10;
	(erf) = vpow2.f32 v7;
	_ =	sdelay $0x1  }
0x43: {  	v32 =	vmul.f32 $1.442695020e+00, v31;
	(erf) = vpow2.f32 v30;
	_ =	sdelay $0x1  }
0x44: {  	(erf) = vpow2.f32 v32;
	_ =	sdelay $0x2  }
0x45: {  	v33 =	vpop (erf)  }
0x46: {  	v35 =	vld [tilespmem:$0x180];
	v34 =	vpop (erf)  }
0x47: {  	v37 =	vld [tilespmem:$0x190];
	v36 =	vpop (erf)  }
0x48: {  	v15 =	vld [tilespmem:$0x1A0];
	v38 =	vadd.f32 v36, v34  }
0x49: {  	v17 =	vld [tilespmem:$0x1B0];
	v16 =	vpop (erf)  }
0x4a: {  	v14 =	vadd.f32 v38, v16  }
0x4b: {  	v18 =	vpop (erf)  }
0x4c: {  	v19 =	vmax.f32 v35, v37;
	v14 =	vadd.f32 v14, v18  }
0x4d: {  	v19 =	vmax.f32 v19, v15  }
0x4e: {  	v39 =	vmax.f32 v19, v17;
	(xrf2) =	vadd.scan.msk.f32 $0xffff, v14  }
0x4f: {  	(xrf0) =	vmax.scan.msk.f32 $0xffff, v39;
	_ =	sdelay $0x5  }
0x50: {  	v14, _, _ =	vpop (xrf0)  }
0x51: {  	v14 =	vbroadcast v14, $0xF;
	_ =	sdelay $0x1  }
0x52: {  	v9 =	vsub.f32 v35, v14;
	v40, _, _ =	vpop (xrf2)  }
0x53: {  	v12 =	vsub.f32 v37, v14;
	v19 =	vbroadcast v40, $0xF  }
0x54: {  	v9 =	vmul.f32 $1.442695020e+00, v9  }
0x55: {  	v15 =	vsub.f32 v15, v14;
	v12 =	vmul.f32 $1.442695020e+00, v12;
	(erf) = vrcp.f32 v19  }
0x56: {  	(erf) = vpow2.f32 v9  }
0x57: {  	v42 =	vsub.f32 v17, v14;
	v41 =	vmul.f32 $1.442695020e+00, v15;
	(erf) = vpow2.f32 v12;
	_ =	sdelay $0x1  }
0x58: {  	v43 =	vmul.f32 $1.442695020e+00, v42;
	(erf) = vpow2.f32 v41;
	_ =	sdelay $0x1  }
0x59: {  	(erf) = vpow2.f32 v43;
	_ =	sdelay $0x2  }
0x5a: {  	v44 =	vpop (erf)  }
0x5b: {  	v45 =	vpop (erf)  }
0x5c: {  	v46 =	vpop (erf)  }
0x5d: {  	v47 =	vadd.f32 v46, v45  }
0x5e: {  	v48 =	vpop (erf)  }
0x5f: {  	v15 =	vadd.f32 v47, v48  }
0x60: {  	v49 =	vpop (erf)  }
0x61: {  	v15 =	vadd.f32 v15, v49;
	_ =	sdelay $0x1  }
0x62: {  	(xrf2) =	vadd.scan.msk.f32 $0xffff, v15;
	_ =	sdelay $0x9  }
0x63: {  	v15, _, _ =	vpop (xrf2)  }
0x64: {  	v0 =	vmul.f32 v22, v61;
	v15 =	vbroadcast v15, $0xF  }
0x65: {  	v2 =	vmul.f32 v22, v63  }
0x66: {  	v50 =	vmul.f32 v22, v6;
	[tilespmem:$0x200] =	vst v0;
	(erf) = vrcp.f32 v15  }
0x67: {  	v1 =	vmul.f32 v22, v8;
	[tilespmem:$0x210] =	vst v2  }
0x68: {  	[tilespmem:$0x220] =	vst v50;
	v51 =	vmul.f32 v33, v23  }
0x69: {  	[tilespmem:$0x230] =	vst v1;
	v52 =	vmul.f32 v33, v25  }
0x6a: {  	v53 =	vmul.f32 v33, v11;
	[tilespmem:$0x280] =	vst v51  }
0x6b: {  	v54 =	vmul.f32 v33, v13;
	[tilespmem:$0x290] =	vst v52  }
0x6c: {  	[tilespmem:$0x2A0] =	vst v53;
	v55 =	vmul.f32 v44, v34  }
0x6d: {  	[tilespmem:$0x2B0] =	vst v54;
	v56 =	vmul.f32 v44, v36  }
0x6e: {  	v57 =	vmul.f32 v44, v16;
	[tilespmem:$0x300] =	vst v55  }
0x6f: {  	v58 =	vmul.f32 v44, v18;
	[tilespmem:$0x310] =	vst v56;
	v59 =	vpop (erf)  }
0x70: {  	[tilespmem:$0x320] =	vst v57;
	v60 =	vmul.f32 v59, v45  }
0x71: {  	[tilespmem:$0x330] =	vst v58;
	v61 =	vmul.f32 v59, v46  }
0x72: {  	v62 =	vmul.f32 v59, v48;
	[tilespmem:$0x380] =	vst v60  }
0x73: {  	v63 =	vmul.f32 v59, v49;
	[tilespmem:$0x390] =	vst v61  }
0x74: {  	[tilespmem:$0x3A0] =	vst v62  }
0x75: {  	s31 =	simm.s32 $0x200;
	s2 =	sadd.s32 s2, s4;
	[tilespmem:$0x3B0] =	vst v63  }
0x76: {  	[hbm4b:s2+s3] =	stream.linear.scatter [tilespmem:s31], [sflag:$0x1], $0x200, $0x38;
	[tilespmem:$0x400] =	vst v63  }
0x77: {  	_ =	swait.ge [sflag:s30], $0x200  }
0x78: {  	[sflag:s30] =	ssyncset.done $0x0  }
0x79: {  	[sflag:s30] =	ssyncadd.s32 $0xFFFFFE00  }
0x7a: {  	_ =	sfence.sel $0x180000  }
0x7b: {  	[bflag:$0x0] =	sbarrier.arrive $0xFFFF  }
0x7c: {  	p0 =	sne.s32 s1, $0x0;
	_ =	strace $0x90000047  }
0x7d: {  	s0 =	sadd.s32 @!p0 $0x100000, s0;
	[bflag:$0x2] =	sbarrier.arrive $0xFFFF  }
0x7e: {  	[sflag:s0] =	ssyncadd.tile.s32 @!p0 $0x1;
	_ =	shalt  }
.Lfunc_end2:
_tile_overlayer_lowered:
.L_overlay_start_2:
0x7f: {  	(tag) =	ssettag $0x2  }
0x80: {  	s0 =	rddreg [dreg:$0x0];
	s2 =	stileid.u32  }
0x81: {  	s1 =	rddreg [dreg:$0x1];
	p0 =	sne.s32 s2, $0x0  }
0x82: {  	s3 =	rddreg [dreg:$0x2];
	[bflag:$0x3] =	sbarrier.arrive $0xFFFF;
	s2 =	simm.s32 @!p0 $0x1C01  }
0x83: {  	[timem:s3], [sflag:s2] =	dma.local @!p0 [hbm:s0], s1  }
0x84: {  	s0 =	simm.s32 @!p0 $0x1  }
0x85: {  	_ =	swait.ge @!p0 [sflag:s0], s1  }
0x86: {  	s1 =	ssub.s32 @!p0 $0x0, s1;
	[sflag:s0] =	ssyncset.done @!p0 $0x0  }
0x87: {  	[sflag:s0] =	ssyncadd.s32 @!p0 s1  }
0x88: {  	[bflag:$0x3] =	sbarrier.arrive $0xFFFF  }
0x89: {  	_ =	shalt  }

</sc_bundles>
